<compile_context>
chip_gen: v7x
topology: tpu7x:2x2x1
jax: 0.10.2.dev20260603
libtpu: 0.0.44.dev20260713+nightly
codegen_flags: <defaults>
</compile_context>

<pallas_src>
import jax
import jax.numpy as jnp
from jax import lax
from jax.experimental import pallas as pl
from jax.experimental.pallas import tpu as pltpu
from jax.experimental.pallas import tpu_sc as plsc

_E = 320000
_F = 128
_N = 10000

_LANES = 16
_NC = 1
_NS = 16
_NW = _NC * _NS
_CHUNK = _E // _NW
assert _CHUNK % _LANES == 0



def _sc_factor_body(src_hbm, dst_hbm, tc_hbm, tl_hbm, decays_hbm, out_hbm,
                    tab_v, etab_v, src_v, dst_v, tc_v, tl_v, out_v,
                    sem_tab, sem_in):
    wid = lax.axis_index("s") * _NC + lax.axis_index("c")
    chunk = pl.ds(wid * _CHUNK, _CHUNK)

    cp_tab = pltpu.async_copy(decays_hbm, tab_v, sem_tab)
    cp_s = pltpu.async_copy(src_hbm.at[chunk], src_v, sem_in)
    cp_d = pltpu.async_copy(dst_hbm.at[chunk], dst_v, sem_in)
    cp_tc = pltpu.async_copy(tc_hbm.at[chunk], tc_v, sem_in)
    cp_tl = pltpu.async_copy(tl_hbm.at[chunk], tl_v, sem_in)

    cp_tab.wait()

    @plsc.parallel_loop(0, _N // _LANES, unroll=5)
    def _exp_loop(i):
        sl = pl.ds(i * _LANES, _LANES)
        etab_v[sl] = jnp.exp(tab_v[sl]) * 0.5

    cp_s.wait()
    cp_d.wait()
    cp_tc.wait()
    cp_tl.wait()

    @plsc.parallel_loop(0, _CHUNK // _LANES, unroll=5)
    def _edge_loop(i):
        sl = pl.ds(i * _LANES, _LANES)
        gs = plsc.load_gather(etab_v, [src_v[sl]])
        gd = plsc.load_gather(etab_v, [dst_v[sl]])
        out_v[sl] = jnp.exp((gs + gd) * (tl_v[sl] - tc_v[sl]))

    pltpu.sync_copy(out_v, out_hbm.at[chunk])


@jax.jit
def _sc_factor(src, dst, t_cur, t_last, decays):
    return pl.kernel(
        _sc_factor_body,
        out_type=jax.ShapeDtypeStruct((_E,), jnp.float32),
        mesh=plsc.VectorSubcoreMesh(core_axis_name="c", subcore_axis_name="s",
                                    num_cores=_NC),
        scratch_types=[
            pltpu.VMEM((_N,), jnp.float32),
            pltpu.VMEM((_N,), jnp.float32),
            pltpu.VMEM((_CHUNK,), jnp.int32),
            pltpu.VMEM((_CHUNK,), jnp.int32),
            pltpu.VMEM((_CHUNK,), jnp.float32),
            pltpu.VMEM((_CHUNK,), jnp.float32),
            pltpu.VMEM((_CHUNK,), jnp.float32),
            pltpu.SemaphoreType.DMA,
            pltpu.SemaphoreType.DMA,
        ],
        compiler_params=pltpu.CompilerParams(needs_layout_passes=False),
    )(src, dst, t_cur, t_last, decays)



_BE = 32768


def _tc_alpha_body(x_ref, w_ref, b_ref, o_ref):
    z = lax.dot_general(
        w_ref[...], x_ref[...], (((1,), (1,)), ((), ())),
        preferred_element_type=jnp.float32,
    ) + b_ref[0, 0]
    o_ref[...] = (jnp.maximum(z, 0.0) + jnp.log1p(jnp.exp(-jnp.abs(z))))[0]


@jax.jit
def _tc_alpha(x_last, W, b):
    grid = pl.cdiv(_E, _BE)
    return pl.pallas_call(
        _tc_alpha_body,
        grid=(grid,),
        in_specs=[
            pl.BlockSpec((_BE, _F), lambda i: (i, 0)),
            pl.BlockSpec((1, _F), lambda i: (0, 0)),
            pl.BlockSpec((1, 1), lambda i: (0, 0)),
        ],
        out_specs=pl.BlockSpec((_BE,), lambda i: (i,)),
        out_shape=jax.ShapeDtypeStruct((_E,), jnp.float32),
    )(x_last, W, b.reshape(1, 1))


def kernel(src, dst, t_cur, x_last, t_last, W, b, decays):
    factor = _sc_factor(src, dst, t_cur, t_last, decays)
    alpha = _tc_alpha(x_last.astype(jnp.float32), W, b)
    return alpha * factor

# --- scband reference (transcript-rebuilt; emitter-appended) ---
"""Pipeline reference for scband-exp-kernel-75076028334593 (READ-ONLY COPY).

The authoritative reference and input builder live on the scoring server;
editing this copy changes nothing except your own understanding.
"""

import jax, jax.numpy as jnp
import numpy as np

E = 320000
F = 128
N = 10000

def setup_inputs(seed: int = 0) -> dict:
    key = jax.random.key(seed)
    k = jax.random.split(key, 8)
    src = jax.random.randint(k[0], (E,), 0, N)
    dst = jax.random.randint(k[1], (E,), 0, N)
    t_last = jax.random.uniform(k[2], (E,), dtype=jnp.float32) * 0.5
    t_cur = t_last + jax.random.uniform(k[3], (E,), dtype=jnp.float32) * 0.5
    x_last = jax.random.normal(k[4], (E, F), dtype=jnp.float32)
    W = jax.random.normal(k[5], (1, F), dtype=jnp.float32) * (1.0 / np.sqrt(F))
    b = jnp.zeros((1,), dtype=jnp.float32)
    decays = jax.random.normal(k[6], (N,), dtype=jnp.float32)
    return {"src": src, "dst": dst, "t_cur": t_cur, "x_last": x_last, "t_last": t_last, "W": W, "b": b, "decays": decays}

def reference(src, dst, t_cur, x_last, t_last, W, b, decays):
    # delta_t
    delta_t = t_cur - t_last
    # x_last -> linear -> softplus (alpha), viewed as t_cur's shape
    x_last = x_last.astype(jnp.float32)
    alpha = jax.nn.softplus(x_last @ W.T + b).reshape(t_cur.shape)
    # per-node decays gathered at src and dst (embedding-style lookup)
    decay = (jnp.exp(jnp.take(decays, src, axis=0)) + jnp.exp(jnp.take(decays, dst, axis=0))) / 2.0
    out = alpha * jnp.exp(-(decay * delta_t))
    return out.reshape(t_cur.shape)

if __name__ == "__main__":
    import jax
    _d = setup_inputs()
    print(jax.jit(kernel)(*tuple(_d.values())))

</pallas_src>

<mosaic_0001>
#map = affine_map<(d0, d1) -> (0)>
module attributes {stable_mosaic.version = 14 : i64} {
  func.func @_sc_factor_body(%arg0: i32, %arg1: i32, %arg2: memref<320000xi32, #tpu.memory_space<hbm>>, %arg3: memref<320000xi32, #tpu.memory_space<hbm>>, %arg4: memref<320000xf32, #tpu.memory_space<hbm>>, %arg5: memref<320000xf32, #tpu.memory_space<hbm>>, %arg6: memref<10000xf32, #tpu.memory_space<hbm>>, %arg7: memref<320000xf32, #tpu.memory_space<hbm>>, %arg8: memref<10000xf32, #tpu.memory_space<vmem>>, %arg9: memref<10000xf32, #tpu.memory_space<vmem>>, %arg10: memref<20000xi32, #tpu.memory_space<vmem>>, %arg11: memref<20000xi32, #tpu.memory_space<vmem>>, %arg12: memref<20000xf32, #tpu.memory_space<vmem>>, %arg13: memref<20000xf32, #tpu.memory_space<vmem>>, %arg14: memref<20000xf32, #tpu.memory_space<vmem>>, %arg15: memref<!tpu.dma_semaphore, #tpu.memory_space<semaphore_mem>>, %arg16: memref<!tpu.dma_semaphore, #tpu.memory_space<semaphore_mem>>) attributes {dimension_semantics = [#tpu.dimension_semantics<core_parallel>, #tpu.dimension_semantics<subcore_parallel>], iteration_bounds = array<i64: 1, 16>, scalar_prefetch = 0 : i64, scratch_operands = 9 : i64, tpu.core_type = #tpu.core_type<sc_vector_subcore>, window_params = [{transform_indices = #map}, {transform_indices = #map}, {transform_indices = #map}, {transform_indices = #map}, {transform_indices = #map}, {transform_indices = #map}]} {
    %mul3A = arith.constant 1 : i32
    %mul3A_0 = arith.muli %arg1, %mul3A : i32
    %add3A = arith.addi %mul3A_0, %arg0 : i32
    %mul3A_1 = arith.constant 20000 : i32
    %mul3A_2 = arith.muli %add3A, %mul3A_1 : i32
    tpu.enqueue_dma source(%arg6 : memref<10000xf32, #tpu.memory_space<hbm>>) target(%arg8 : memref<10000xf32, #tpu.memory_space<vmem>>) target_semaphore(%arg15 : memref<!tpu.dma_semaphore, #tpu.memory_space<semaphore_mem>>)
    %dma_start3A = tpu.memref_slice %arg2[%mul3A_2] : memref<320000xi32, #tpu.memory_space<hbm>> -> memref<20000xi32, #tpu.memory_space<hbm>>
    %dma_start3A_3 = tpu.memref_slice %arg2[%mul3A_2] : memref<320000xi32, #tpu.memory_space<hbm>> -> memref<20000xi32, #tpu.memory_space<hbm>>
    tpu.enqueue_dma source(%dma_start3A_3 : memref<20000xi32, #tpu.memory_space<hbm>>) target(%arg10 : memref<20000xi32, #tpu.memory_space<vmem>>) target_semaphore(%arg16 : memref<!tpu.dma_semaphore, #tpu.memory_space<semaphore_mem>>)
    %dma_start3A_4 = tpu.memref_slice %arg3[%mul3A_2] : memref<320000xi32, #tpu.memory_space<hbm>> -> memref<20000xi32, #tpu.memory_space<hbm>>
    %dma_start3A_5 = tpu.memref_slice %arg3[%mul3A_2] : memref<320000xi32, #tpu.memory_space<hbm>> -> memref<20000xi32, #tpu.memory_space<hbm>>
    tpu.enqueue_dma source(%dma_start3A_5 : memref<20000xi32, #tpu.memory_space<hbm>>) target(%arg11 : memref<20000xi32, #tpu.memory_space<vmem>>) target_semaphore(%arg16 : memref<!tpu.dma_semaphore, #tpu.memory_space<semaphore_mem>>)
    %dma_start3A_6 = tpu.memref_slice %arg4[%mul3A_2] : memref<320000xf32, #tpu.memory_space<hbm>> -> memref<20000xf32, #tpu.memory_space<hbm>>
    %dma_start3A_7 = tpu.memref_slice %arg4[%mul3A_2] : memref<320000xf32, #tpu.memory_space<hbm>> -> memref<20000xf32, #tpu.memory_space<hbm>>
    tpu.enqueue_dma source(%dma_start3A_7 : memref<20000xf32, #tpu.memory_space<hbm>>) target(%arg12 : memref<20000xf32, #tpu.memory_space<vmem>>) target_semaphore(%arg16 : memref<!tpu.dma_semaphore, #tpu.memory_space<semaphore_mem>>)
    %dma_start3A_8 = tpu.memref_slice %arg5[%mul3A_2] : memref<320000xf32, #tpu.memory_space<hbm>> -> memref<20000xf32, #tpu.memory_space<hbm>>
    %dma_start3A_9 = tpu.memref_slice %arg5[%mul3A_2] : memref<320000xf32, #tpu.memory_space<hbm>> -> memref<20000xf32, #tpu.memory_space<hbm>>
    tpu.enqueue_dma source(%dma_start3A_9 : memref<20000xf32, #tpu.memory_space<hbm>>) target(%arg13 : memref<20000xf32, #tpu.memory_space<vmem>>) target_semaphore(%arg16 : memref<!tpu.dma_semaphore, #tpu.memory_space<semaphore_mem>>)
    tpu.wait_dma2 semaphore(%arg15 : memref<!tpu.dma_semaphore, #tpu.memory_space<semaphore_mem>>) src(%arg6 : memref<10000xf32, #tpu.memory_space<hbm>>) dst(%arg8 : memref<10000xf32, #tpu.memory_space<vmem>>)
    %parallel_loop3A = arith.constant 0 : i32
    %parallel_loop3A_10 = arith.constant 625 : i32
    %parallel_loop3A_11 = arith.constant 1 : i32
    scf.for %parallel_loop3A_22 = %parallel_loop3A to %parallel_loop3A_10 step %parallel_loop3A_11  : i32 {
      %parallel_loop3A_23 = arith.constant 16 : i32
      %parallel_loop3A_24 = arith.muli %parallel_loop3A_22, %parallel_loop3A_23 : i32
      %parallel_loop3A_25 = arith.index_cast %parallel_loop3A_24 : i32 to index
      %parallel_loop3A_26 = tpu.vector_load %arg8[%parallel_loop3A_25] {strides = array<i32>} : memref<10000xf32, #tpu.memory_space<vmem>>, vector<16xf32>,
      %parallel_loop3A_27 = math.exp %parallel_loop3A_26 : vector<16xf32>
      %parallel_loop3A_28 = arith.constant 5.000000e-01 : f32
      %parallel_loop3A_29 = vector.broadcast %parallel_loop3A_28 : f32 to vector<16xf32>
      %parallel_loop3A_30 = arith.mulf %parallel_loop3A_27, %parallel_loop3A_29 : vector<16xf32>
      %parallel_loop3A_31 = arith.index_cast %parallel_loop3A_24 : i32 to index
      %parallel_loop3A_32 = tpu.vector_load %arg9[%parallel_loop3A_31] {strides = array<i32>} : memref<10000xf32, #tpu.memory_space<vmem>>, vector<16xf32>,
      tpu.vector_store %arg9[%parallel_loop3A_31], %parallel_loop3A_30 {strides = array<i32>} : memref<10000xf32, #tpu.memory_space<vmem>>, vector<16xf32>,
    } {sc.loop_unroll_factor = 5 : i64, sc.parallel_access}
    %dma_wait3A = tpu.memref_slice %arg2[%mul3A_2] : memref<320000xi32, #tpu.memory_space<hbm>> -> memref<20000xi32, #tpu.memory_space<hbm>>
    %dma_wait3A_12 = tpu.memref_slice %arg2[%mul3A_2] : memref<320000xi32, #tpu.memory_space<hbm>> -> memref<20000xi32, #tpu.memory_space<hbm>>
    tpu.wait_dma2 semaphore(%arg16 : memref<!tpu.dma_semaphore, #tpu.memory_space<semaphore_mem>>) src(%dma_wait3A_12 : memref<20000xi32, #tpu.memory_space<hbm>>) dst(%arg10 : memref<20000xi32, #tpu.memory_space<vmem>>)
    %dma_wait3A_13 = tpu.memref_slice %arg3[%mul3A_2] : memref<320000xi32, #tpu.memory_space<hbm>> -> memref<20000xi32, #tpu.memory_space<hbm>>
    %dma_wait3A_14 = tpu.memref_slice %arg3[%mul3A_2] : memref<320000xi32, #tpu.memory_space<hbm>> -> memref<20000xi32, #tpu.memory_space<hbm>>
    tpu.wait_dma2 semaphore(%arg16 : memref<!tpu.dma_semaphore, #tpu.memory_space<semaphore_mem>>) src(%dma_wait3A_14 : memref<20000xi32, #tpu.memory_space<hbm>>) dst(%arg11 : memref<20000xi32, #tpu.memory_space<vmem>>)
    %dma_wait3A_15 = tpu.memref_slice %arg4[%mul3A_2] : memref<320000xf32, #tpu.memory_space<hbm>> -> memref<20000xf32, #tpu.memory_space<hbm>>
    %dma_wait3A_16 = tpu.memref_slice %arg4[%mul3A_2] : memref<320000xf32, #tpu.memory_space<hbm>> -> memref<20000xf32, #tpu.memory_space<hbm>>
    tpu.wait_dma2 semaphore(%arg16 : memref<!tpu.dma_semaphore, #tpu.memory_space<semaphore_mem>>) src(%dma_wait3A_16 : memref<20000xf32, #tpu.memory_space<hbm>>) dst(%arg12 : memref<20000xf32, #tpu.memory_space<vmem>>)
    %dma_wait3A_17 = tpu.memref_slice %arg5[%mul3A_2] : memref<320000xf32, #tpu.memory_space<hbm>> -> memref<20000xf32, #tpu.memory_space<hbm>>
    %dma_wait3A_18 = tpu.memref_slice %arg5[%mul3A_2] : memref<320000xf32, #tpu.memory_space<hbm>> -> memref<20000xf32, #tpu.memory_space<hbm>>
    tpu.wait_dma2 semaphore(%arg16 : memref<!tpu.dma_semaphore, #tpu.memory_space<semaphore_mem>>) src(%dma_wait3A_18 : memref<20000xf32, #tpu.memory_space<hbm>>) dst(%arg13 : memref<20000xf32, #tpu.memory_space<vmem>>)
    %parallel_loop3A_19 = arith.constant 0 : i32
    %parallel_loop3A_20 = arith.constant 1250 : i32
    %parallel_loop3A_21 = arith.constant 1 : i32
    scf.for %parallel_loop3A_22 = %parallel_loop3A_19 to %parallel_loop3A_20 step %parallel_loop3A_21  : i32 {
      %parallel_loop3A_23 = arith.constant 16 : i32
      %parallel_loop3A_24 = arith.muli %parallel_loop3A_22, %parallel_loop3A_23 : i32
      %parallel_loop3A_25 = arith.index_cast %parallel_loop3A_24 : i32 to index
      %parallel_loop3A_26 = tpu.vector_load %arg10[%parallel_loop3A_25] {strides = array<i32>} : memref<20000xi32, #tpu.memory_space<vmem>>, vector<16xi32>,
      %parallel_loop3A_27 = tpu.vector_load_idx %arg9[%parallel_loop3A_26] : memref<10000xf32, #tpu.memory_space<vmem>>[vector<16xi32>], vector<16xf32>,
      %parallel_loop3A_28 = arith.index_cast %parallel_loop3A_24 : i32 to index
      %parallel_loop3A_29 = tpu.vector_load %arg11[%parallel_loop3A_28] {strides = array<i32>} : memref<20000xi32, #tpu.memory_space<vmem>>, vector<16xi32>,
      %parallel_loop3A_30 = tpu.vector_load_idx %arg9[%parallel_loop3A_29] : memref<10000xf32, #tpu.memory_space<vmem>>[vector<16xi32>], vector<16xf32>,
      %parallel_loop3A_31 = arith.addf %parallel_loop3A_27, %parallel_loop3A_30 : vector<16xf32>
      %parallel_loop3A_32 = arith.index_cast %parallel_loop3A_24 : i32 to index
      %parallel_loop3A_33 = tpu.vector_load %arg13[%parallel_loop3A_32] {strides = array<i32>} : memref<20000xf32, #tpu.memory_space<vmem>>, vector<16xf32>,
      %parallel_loop3A_34 = arith.index_cast %parallel_loop3A_24 : i32 to index
      %parallel_loop3A_35 = tpu.vector_load %arg12[%parallel_loop3A_34] {strides = array<i32>} : memref<20000xf32, #tpu.memory_space<vmem>>, vector<16xf32>,
      %parallel_loop3A_36 = arith.subf %parallel_loop3A_33, %parallel_loop3A_35 : vector<16xf32>
      %parallel_loop3A_37 = arith.mulf %parallel_loop3A_31, %parallel_loop3A_36 : vector<16xf32>
      %parallel_loop3A_38 = math.exp %parallel_loop3A_37 : vector<16xf32>
      %parallel_loop3A_39 = arith.index_cast %parallel_loop3A_24 : i32 to index
      %parallel_loop3A_40 = tpu.vector_load %arg14[%parallel_loop3A_39] {strides = array<i32>} : memref<20000xf32, #tpu.memory_space<vmem>>, vector<16xf32>,
      tpu.vector_store %arg14[%parallel_loop3A_39], %parallel_loop3A_38 {strides = array<i32>} : memref<20000xf32, #tpu.memory_space<vmem>>, vector<16xf32>,
    } {sc.loop_unroll_factor = 5 : i64, sc.parallel_access}
    "tpu.region"() ({
      %run_scoped3A = tpu.sem_alloc : memref<!tpu.dma_semaphore, #tpu.memory_space<semaphore_mem>>
      %dma_start3A_22 = tpu.memref_slice %arg7[%mul3A_2] : memref<320000xf32, #tpu.memory_space<hbm>> -> memref<20000xf32, #tpu.memory_space<hbm>>
      %dma_start3A_23 = tpu.memref_slice %arg7[%mul3A_2] : memref<320000xf32, #tpu.memory_space<hbm>> -> memref<20000xf32, #tpu.memory_space<hbm>>
      tpu.enqueue_dma source(%arg14 : memref<20000xf32, #tpu.memory_space<vmem>>) target(%dma_start3A_23 : memref<20000xf32, #tpu.memory_space<hbm>>) target_semaphore(%run_scoped3A : memref<!tpu.dma_semaphore, #tpu.memory_space<semaphore_mem>>)
      %dma_wait3A_24 = tpu.memref_slice %arg7[%mul3A_2] : memref<320000xf32, #tpu.memory_space<hbm>> -> memref<20000xf32, #tpu.memory_space<hbm>>
      %dma_wait3A_25 = tpu.memref_slice %arg7[%mul3A_2] : memref<320000xf32, #tpu.memory_space<hbm>> -> memref<20000xf32, #tpu.memory_space<hbm>>
      tpu.wait_dma2 semaphore(%run_scoped3A : memref<!tpu.dma_semaphore, #tpu.memory_space<semaphore_mem>>) src(%arg14 : memref<20000xf32, #tpu.memory_space<vmem>>) dst(%dma_wait3A_25 : memref<20000xf32, #tpu.memory_space<hbm>>)
      tpu.yield
    }) : () -> ()
    return
  }
}

</mosaic_0001>

<sc_bundles>
// kernel: _sc_factor.3.cloned.1.call-start
scs
__scs_entry_jumppad:
0x0: {  	(pc) =	sbr.rel $0x88, $3  }
0x1: {  	(tag) =	ssettag $0x0;
	lr =	simm.s32 $0x1  }
0x2: {  	[smem:$0x3F9C] =	sst lr;
	_ =	strace $0xD0000000  }
0x3: {  	_ = 	snop  }
0x4: {  	_ = 	snop  }
0x5: {  	_ = 	snop  }
0x6: {  	_ = 	snop  }
0x7: {  	_ = 	snop  }
__scs_overlays_trampoline_lowered:
0x8: {  	[smem:$0x3FAB] =	sst s0  }
0x9: {  	[smem:$0x3FAC] =	sst s1  }
0xa: {  	[smem:$0x3FAD] =	sst s2  }
0xb: {  	[smem:$0x3FAE] =	sst s3  }
0xc: {  	[smem:$0x3FAF] =	sst s4  }
0xd: {  	[smem:$0x3FB0] =	sst s5  }
0xe: {  	[smem:$0x3FB1] =	sst s6  }
0xf: {  	[smem:$0x3FB2] =	sst s7  }
0x10: {  	[smem:$0x3FB3] =	sst s8  }
0x11: {  	[smem:$0x3FB4] =	sst s9;
	s0 =	simm.s32 @!p0 $0x0  }
0x12: {  	s1 =	sld [smem:$0x3F9A];
	s0 =	simm.s32 @p0 $0x1  }
0x13: {  	[smem:$0x3FB5] =	sst s0;
	s0 =	simm.s32 @!p1 $0x0  }
0x14: {  	s2 =	sld [smem:$0x3F99];
	s0 =	simm.s32 @p1 $0x1  }
0x15: {  	[smem:$0x3FB6] =	sst s0;
	s0 =	simm.s32 @!p2 $0x0  }
0x16: {  	s3 =	sld [smem:$0x3FDB];
	s0 =	simm.s32 @p2 $0x1  }
0x17: {  	s4 =	simm.s32 $0x1BF5;
	[smem:$0x3FB8] =	sst s0  }
0x18: {  	s0 =	sld [smem:$0x3F9B];
	_ =	swait.ge [sflag:s4], $0x0  }
0x19: {  	s7 =	sld [smem:$0x3F9C]  }
0x1a: {  	s8 =	sadd.s32 $0xFFFFE003, lr  }
0x1b: {  	s9 =	sadd.s32 $0xFFFFFEF7, lr;
	s5 =	simm.s32 $0xFFFFFFFF;
	p2 =	slt.u32 s8, $0xFFFFF086  }
0x1c: {  	p1 =	slt.u32 s9, $0xF7A;
	s5 =	simm.s32 @!p2 $0x0  }
0x1d: {  	s5 =	simm.s32 @p1 $0x1;
	p0 =	seq.s32 s7, s2  }
0x1e: {  	s7 =	smul.u32 @!p0 $0xF7A, s2;
	p2 =	seq.s32 @!p0 s5, $0x0  }
0x1f: {  	s9 =	smul.u32 $0xF7A, s1;
	s8 =	simm.s32 @!p0 $0x1BF5;
	p2 =	por !p2, p0  }
0x20: {  	[sflag:s8] =	ssyncset.s32 @!p0 $0xFFFFF086;
	s6 =	sadd.s32 @!p0 s3, s7;
	s7 =	simm.s32 @!p0 $0x108  }
0x21: {  	s3 =	sadd.s32 s3, s9;
	s6 =	sadd.s32 @!p0 $0x88, s6;
	s7 =	simm.s32 @p2 $0x1082  }
0x22: {  	[simem:s7], [sflag:s8] =	dma.local @!p0 [hbm:s6], $0xF7A  }
0x23: {  	s9 =	sor.u32 $0xD0000000, s2;
	s6 =	simm.s32 $0x108;
	_ =	swait.ge @!p0 [sflag:s8], $0x0  }
0x24: {  	s3 =	sadd.s32 $0x88, s3;
	s6 =	simm.s32 @!p1 $0x1082;
	[sflag:s4] =	ssyncset.s32 $0xFFFFF086  }
0x25: {  	[simem:s6], [sflag:s4] =	dma.local [hbm:s3], $0xF7A  }
0x26: {  	[smem:$0x3F9C] =	sst s1;
	(tag) =	ssettag s2;
	_ =	strace s9  }
0x27: {  	s1 =	sld [smem:$0x3FAC]  }
0x28: {  	s2 =	sld [smem:$0x3FAD]  }
0x29: {  	s4 =	sld [smem:$0x3FAF]  }
0x2a: {  	p0 =	seq.s32 s5, $0x0;
	s5 =	sld [smem:$0x3FB0]  }
0x2b: {  	s6 =	sld [smem:$0x3FB1]  }
0x2c: {  	s7 =	sld [smem:$0x3FB2]  }
0x2d: {  	s3 =	simm.s32 $0x108;
	s8 =	sld [smem:$0x3FB3]  }
0x2e: {  	s3 =	simm.s32 @!p0 $0x1082;
	s9 =	sld [smem:$0x3FB4]  }
0x2f: {  	lr =	sadd.s32 s0, s3;
	s0 =	sld [smem:$0x3FAB]  }
0x30: {  	s3 =	sld [smem:$0x3FAE]  }
0x31: {  	[smem:$0x3FB7] =	sst s10  }
0x32: {  	s10 =	sld [smem:$0x3FB5];
	_ =	sdelay $0x3  }
0x33: {  	p0 =	seq.s32 s10, $0x1;
	s10 =	sld [smem:$0x3FB7];
	_ =	sdelay $0x3  }
0x34: {  	[smem:$0x3FB7] =	sst s10  }
0x35: {  	s10 =	sld [smem:$0x3FB6];
	_ =	sdelay $0x3  }
0x36: {  	p1 =	seq.s32 s10, $0x1;
	s10 =	sld [smem:$0x3FB7];
	_ =	sdelay $0x3  }
0x37: {  	[smem:$0x3FB7] =	sst s10  }
0x38: {  	s10 =	sld [smem:$0x3FB8]  }
0x39: {  	_ = 	snop;
	(pc) =	sbr.ind lr, $3  }
0x3a: {  	_ = 	snop  }
0x3b: {  	_ = 	snop  }
0x3c: {  	p2 =	seq.s32 s10, $0x1;
	s10 =	sld [smem:$0x3FB7]  }
0x3d: {  	_ =	shalt  }
0x3e: {  	_ =	shalt  }
0x3f: {  	_ =	shalt  }
0x40: {  	_ =	shalt  }
0x41: {  	_ =	shalt  }
0x42: {  	_ =	shalt  }
0x43: {  	_ =	shalt  }
0x44: {  	_ =	shalt  }
0x45: {  	_ =	shalt  }
0x46: {  	_ =	shalt  }
0x47: {  	_ =	shalt  }
0x48: {  	_ =	shalt  }
0x49: {  	_ =	shalt  }
0x4a: {  	_ =	shalt  }
0x4b: {  	_ =	shalt  }
0x4c: {  	_ =	shalt  }
0x4d: {  	_ =	shalt  }
0x4e: {  	_ =	shalt  }
0x4f: {  	_ =	shalt  }
0x50: {  	_ =	shalt  }
0x51: {  	_ =	shalt  }
0x52: {  	_ =	shalt  }
0x53: {  	_ =	shalt  }
0x54: {  	_ =	shalt  }
0x55: {  	_ =	shalt  }
0x56: {  	_ =	shalt  }
0x57: {  	_ =	shalt  }
0x58: {  	_ =	shalt  }
0x59: {  	_ =	shalt  }
0x5a: {  	_ =	shalt  }
0x5b: {  	_ =	shalt  }
0x5c: {  	_ =	shalt  }
0x5d: {  	_ =	shalt  }
0x5e: {  	_ =	shalt  }
0x5f: {  	_ =	shalt  }
0x60: {  	_ =	shalt  }
0x61: {  	_ =	shalt  }
0x62: {  	_ =	shalt  }
0x63: {  	_ =	shalt  }
0x64: {  	_ =	shalt  }
0x65: {  	_ =	shalt  }
0x66: {  	_ =	shalt  }
0x67: {  	_ =	shalt  }
0x68: {  	_ =	shalt  }
0x69: {  	_ =	shalt  }
0x6a: {  	_ =	shalt  }
0x6b: {  	_ =	shalt  }
0x6c: {  	_ =	shalt  }
0x6d: {  	_ =	shalt  }
0x6e: {  	_ =	shalt  }
0x6f: {  	_ =	shalt  }
0x70: {  	_ =	shalt  }
0x71: {  	_ =	shalt  }
0x72: {  	_ =	shalt  }
0x73: {  	_ =	shalt  }
0x74: {  	_ =	shalt  }
0x75: {  	_ =	shalt  }
0x76: {  	_ =	shalt  }
0x77: {  	_ =	shalt  }
0x78: {  	_ =	shalt  }
0x79: {  	_ =	shalt  }
0x7a: {  	_ =	shalt  }
0x7b: {  	_ =	shalt  }
0x7c: {  	_ =	shalt  }
0x7d: {  	_ =	shalt  }
0x7e: {  	_ =	shalt  }
0x7f: {  	_ =	shalt  }
0x80: {  	_ =	shalt  }
0x81: {  	_ =	shalt  }
0x82: {  	_ =	shalt  }
0x83: {  	_ =	shalt  }
0x84: {  	_ =	shalt  }
0x85: {  	_ =	shalt  }
0x86: {  	_ =	shalt  }
0x87: {  	_ =	shalt  }
.Lfunc_end0:
.L_simem_size_0:
called_computation_lowered:
.L_overlay_start_0:
0x88: {  	s0 =	sld [smem:$0x3FD9]  }
0x89: {  	s1 =	sld [smem:$0x3FFE];
	_ =	sdelay $0x3  }
0x8a: {  	s0 =	sadd.s32 s1, s0  }
0x8b: {  	[smem:$0x3FC3] =	sst s0  }
0x8c: {  	_ = 	snop  }
0x8d: {  	s0 =	sld [smem:$0x3FC9]  }
0x8e: {  	s17 =	sld [smem:$0x3FC8]  }
0x8f: {  	s2 =	sld [smem:$0x3FC7]  }
0x90: {  	s3 =	sld [smem:$0x3FC6]  }
0x91: {  	s4 =	sld [smem:$0x3FC5]  }
0x92: {  	s5 =	sld [smem:$0x3FD0];
	(tm) =	ssettm $0x1  }
0x93: {  	s6 =	sld [smem:$0x3FFB];
	_ =	sdelay $0x3  }
0x94: {  	_ =	strace s6  }
0x95: {  	s6 =	sld [smem:$0x3FFC];
	_ =	sdelay $0x3  }
0x96: {  	_ =	strace s6  }
0x97: {  	s6 =	sld [smem:$0x3FFD];
	_ =	sdelay $0x3  }
0x98: {  	_ =	strace s6  }
0x99: {  	_ =	strace $0x8FFFFFFF  }
0x9a: {  	s18 =	sld [smem:$0x3FDB];
	_ =	sdelay $0x1  }
0x9b: {  	s7 =	simm.s32 $_scs_section_size  }
0x9c: {  	s8 =	simm.s32 $_size__tile_overlayer_lowered;
	s9 =	simm.s32 $_tile_overlayer_lowered  }
0x9d: {  	s21 =	simm.s32 $0x1BFF;
	s20 =	sshll.u32 s9, $0x1;
	s6 =	sadd.s32 s7, s18  }
0x9e: {  	s10 =	simm.s32 $0x0;
	s19 =	sshll.u32 s8, $0x1;
	s8 =	sadd.s32 s20, s6  }
0x9f: {  	[timem:s10], [sflag:s21] =	dma.local [hbm:s8], s19  }
0xa0: {  	_ =	swait.ge [sflag:s21], s19  }
0xa1: {  	s7 =	ssub.s32 $0x0, s19;
	[sflag:s21] =	ssyncset.done $0x0  }
0xa2: {  	[sflag:s21] =	ssyncadd.s32 s7;
	_ =	sdelay $0x1  }
0xa3: {  	s22 =	simm.s32 $0x1B8B  }
0xa4: {  	_ =	swait.ge [sflag:s22], $0x1  }
0xa5: {  	[sflag:s22] =	ssyncset.done $0x0  }
0xa6: {  	s23 =	simm.s32 $0x1B8E;
	[sflag:s22] =	ssyncadd.s32 $0xFFFFFFFF  }
0xa7: {  	s24 =	simm.s32 $execute0_lowered;
	[smem:$0x3FD2] =	sst s23  }
0xa8: {  	s7 =	sshll.u32 s24, $0x1;
	_ =	strace $0x80000046;
	[dreg:$0x1] =	wrdreg $0xFFFFFFFF  }
0xa9: {  	s25 =	simm.s32 $_size_execute0_lowered;
	s6 =	sadd.s32 s6, s7;
	[dreg:$0x0] =	wrdreg $0x0  }
0xaa: {  	s7 =	sshll.u32 s25, $0x1;
	[dreg:$0x2] =	wrdreg s6  }
0xab: {  	[dreg:$0x3] =	wrdreg s7  }
0xac: {  	[dreg:$0x4] =	wrdreg $0xC0  }
0xad: {  	_ =	task [dreg:s10], $0x5FFFF  }
0xae: {  	[dreg:$0x1] =	wrdreg $0xFFFFFFFF  }
0xaf: {  	[dreg:$0x0] =	wrdreg $0x60  }
0xb0: {  	[dreg:$0x2] =	wrdreg s0  }
0xb1: {  	[dreg:$0x3] =	wrdreg s17  }
0xb2: {  	[dreg:$0x4] =	wrdreg s2  }
0xb3: {  	[dreg:$0x5] =	wrdreg s3  }
0xb4: {  	[dreg:$0x6] =	wrdreg s4  }
0xb5: {  	[dreg:$0x7] =	wrdreg s5  }
0xb6: {  	[dreg:$0x8] =	wrdreg $0x9  }
0xb7: {  	_ =	task.clear_ibuf [dreg:s10], $0x9FFFF;
	_ =	strace $0x90000046  }
0xb8: {  	s26 =	simm.s32 $0x9;
	_ =	strace $0x80000048  }
0xb9: {  	_ =	swait.ge [sflag:s26], $0x1  }
0xba: {  	[sflag:s26] =	ssyncadd.s32 $0xFFFFFFFF  }
0xbb: {  	_ =	strace $0x90000048  }
0xbc: {  	_ =	sfence  }
0xbd: {  	s28 =	sld [smem:$0x0];
	_ =	sdelay $0x1  }
0xbe: {  	s29 =	srdreg.scid  }
0xbf: {  	s30 =	sshll.u32 s29, $0xD;
	s31 =	sshrl.u32 s29, $0x2  }
0xc0: {  	s1 =	sand.u32 $0x1, s29;
	s2 =	sand.u32 $0x4000, s30;
	s0 =	sadd.s32 s31, s28  }
0xc1: {  	s1 =	sor.u32 s2, s1;
	s0 =	sshll.u32 s0, $0x11  }
0xc2: {  	s0 =	sor.u32 s0, s1  }
0xc3: {  	s0 =	sadd.s32 $0x8F2B, s0  }
0xc4: {  	[sflag:s0] =	ssyncadd.remote.s32 $0x1  }
0xc5: {  	_ =	sfence.sel $0xFFFF  }
0xc6: {  	[dreg:$0x0] =	wrdreg $0xFFFFFFFF;
	(pc) =	sbr.abs _section_cstart, $3  }
0xc7: {  	[dreg:$0x1] =	wrdreg $0xFFFFFFFF  }
0xc8: {  	_ =	task.clear_ibuf [dreg:s10], $0x2FFFF;
	_ =	strace $0x9FFFFFFF  }
0xc9: {  	(tm) =	ssettm $0x7FFFFFFF  }
tec
execute0_lowered:
.L_overlay_start_1:
0x0: {  	(tag) =	ssettag $0x1  }
0x1: {  	s4 =	rddreg [dreg:$0x0]  }
0x2: {  	s5 =	rddreg [dreg:$0x1]  }
0x3: {  	s6 =	rddreg [dreg:$0x2]  }
0x4: {  	s7 =	rddreg [dreg:$0x3]  }
0x5: {  	s8 =	rddreg [dreg:$0x4]  }
0x6: {  	s2 =	rddreg [dreg:$0x5];
	s9 =	simm.s32 $0x0  }
0x7: {  	s1 =	stileid.u32;
	[smem:$0x7FF] =	sst s9  }
0x8: {  	s0 =	rddreg [dreg:$0x6];
	s3 =	smul.u32 $0x9C4, s1;
	_ =	strace $0x80000047  }
0x9: {  	[tilespmem:s9], [sflag:$0x1] =	stream.linear.gather [hbm4b:s8+s9], $0x2780, $0x38;
	[tilespmem:$0x1D780] =	vst v63  }
0xa: {  	s20 =	simm.s32 $0x4F00;
	s4 =	sadd.s32 s4, s3  }
0xb: {  	[tilespmem:s20], [sflag:$0x2] =	stream.linear.gather [hbm4b:s4+s9], $0x4E20, $0x38;
	[tilespmem:$0x1D780] =	vst v63  }
0xc: {  	s22 =	simm.s32 $0x9D80;
	s21 =	sadd.s32 s5, s3  }
0xd: {  	[tilespmem:s22], [sflag:$0x2] =	stream.linear.gather [hbm4b:s21+s9], $0x4E20, $0x38;
	[tilespmem:$0x1D780] =	vst v63  }
0xe: {  	s24 =	simm.s32 $0xEC00;
	s23 =	sadd.s32 s6, s3  }
0xf: {  	[tilespmem:s24], [sflag:$0x2] =	stream.linear.gather [hbm4b:s23+s9], $0x4E20, $0x38;
	[tilespmem:$0x1D780] =	vst v63  }
0x10: {  	s26 =	simm.s32 $0x13A80;
	s28 =	simm.s32 $0x1;
	s25 =	sadd.s32 s7, s3  }
0x11: {  	[tilespmem:s26], [sflag:$0x2] =	stream.linear.gather [hbm4b:s25+s9], $0x4E20, $0x38;
	[tilespmem:$0x1D780] =	vst v63  }
0x12: {  	_ =	swait.ge [sflag:s28], $0x2780  }
0x13: {  	[sflag:s28] =	ssyncset.done $0x0  }
0x14: {  	s29 =	simm.s32 $0x20;
	[sflag:s28] =	ssyncadd.s32 $0xFFFFD880  }
0x15: {  	v0 =	vld [tilespmem:s29+$0x20]  }
0x16: {  	v1 =	vld [tilespmem:s29+$0xFFFFFFF0]  }
0x17: {  	v2 =	vld [tilespmem:s29+$0x0]  }
0x18: {  	v3 =	vld [tilespmem:s29+$0xFFFFFFE0];
	_ =	sdelay $0x1  }
0x19: {  	v0 =	vmul.f32 $1.442695020e+00, v0  }
0x1a: {  	v1 =	vmul.f32 $1.442695020e+00, v1  }
0x1b: {  	s30 =	simm.s32 $0x70;
	v4 =	vld [tilespmem:s29+$0x10];
	v2 =	vmul.f32 $1.442695020e+00, v2;
	(erf) = vpow2.f32 v0  }
0x1c: {  	v3 =	vmul.f32 $1.442695020e+00, v3;
	(erf) = vpow2.f32 v1;
	v1 =	vld [tilespmem:s30+$0xFFFFFFF0]  }
0x1d: {  	v0 =	vld [tilespmem:s30+$0x20];
	(erf) = vpow2.f32 v2  }
0x1e: {  	(erf) = vpow2.f32 v3;
	v3 =	vld [tilespmem:s30+$0xFFFFFFE0]  }
0x1f: {  	v5 =	vld [tilespmem:s30+$0x0]  }
0x20: {  	v4 =	vmul.f32 $1.442695020e+00, v4;
	v2 =	vld [tilespmem:s30+$0x10]  }
0x21: {  	v1 =	vmul.f32 $1.442695020e+00, v1  }
0x22: {  	(erf) = vpow2.f32 v4;
	v0 =	vmul.f32 $1.442695020e+00, v0  }
0x23: {  	s31 =	simm.s32 $0xC0;
	v3 =	vmul.f32 $1.442695020e+00, v3  }
0x24: {  	v4 =	vmul.f32 $1.442695020e+00, v5;
	(erf) = vpow2.f32 v0;
	v0 =	vld [tilespmem:s31+$0x20]  }
0x25: {  	v2 =	vmul.f32 $1.442695020e+00, v2;
	(erf) = vpow2.f32 v1;
	v1 =	vpop (erf)  }
0x26: {  	v5 =	vld [tilespmem:s31+$0xFFFFFFF0];
	(erf) = vpow2.f32 v4;
	v1 =	vmul.f32 $5.000000000e-01, v1;
	v6 =	vpop (erf)  }
0x27: {  	s4 =	simm.s32 $0x27A0;
	(erf) = vpow2.f32 v3;
	v3 =	vpop (erf)  }
0x28: {  	v7 =	vld [tilespmem:s31+$0x0];
	[tilespmem:s4+$0x20] =	vst v1;
	v1 =	vmul.f32 $5.000000000e-01, v3  }
0x29: {  	v4 =	vmul.f32 $5.000000000e-01, v6;
	v6 =	vmul.f32 $1.442695020e+00, v0;
	v0 =	vld [tilespmem:s31+$0x10]  }
0x2a: {  	(erf) = vpow2.f32 v2;
	v2 =	vpop (erf);
	[tilespmem:s4+$0x0] =	vst v1;
	v1 =	vld [tilespmem:s31+$0xFFFFFFE0]  }
0x2b: {  	[tilespmem:s4+$0xFFFFFFF0] =	vst v4;
	v8 =	vmul.f32 $5.000000000e-01, v2;
	v2 =	vpop (erf);
	v4 =	vmul.f32 $1.442695020e+00, v5  }
0x2c: {  	(erf) = vpow2.f32 v6;
	v2 =	vmul.f32 $5.000000000e-01, v2  }
0x2d: {  	s5 =	simm.s32 $0xA;
	s6 =	simm.s32 $0x110;
	v3 =	vmul.f32 $1.442695020e+00, v7;
	[tilespmem:s4+$0xFFFFFFE0] =	vst v8  }
.LBB2_1:
0x2e: {  	v5 =	vld [tilespmem:s6+$0x20];
	s5 =	sadd.s32 $0x5, s5;
	v6 =	vmul.f32 $1.442695020e+00, v0;
	(erf) = vpow2.f32 v4;
	v0 =	vpop (erf);
	[tilespmem:s4+$0x10] =	vst v2  }
0x2f: {  	v2 =	vld [tilespmem:s6+$0xFFFFFFF0];
	p0 =	slt.u32 s5, $0x26C;
	v1 =	vmul.f32 $1.442695020e+00, v1;
	v8 =	vmul.f32 $5.000000000e-01, v0;
	v0 =	vpop (erf)  }
0x30: {  	s4 =	sadd.s32 $0x50, s4;
	v7 =	vld [tilespmem:s6+$0x0];
	(erf) = vpow2.f32 v3;
	v3 =	vmul.f32 $5.000000000e-01, v0  }
.Ltmp0:
0x31: {  	v0 =	vld [tilespmem:s6+$0x10];
	(erf) = vpow2.f32 v1;
	[tilespmem:s4+$0x20] =	vst v8;
	v4 =	vpop (erf);
	(pc) =	sbr.rel @p0 .LBB2_1-.Ltmp0, $4  }
0x32: {  	v1 =	vld [tilespmem:s6+$0xFFFFFFE0];
	(erf) = vpow2.f32 v6;
	[tilespmem:s4+$0xFFFFFFF0] =	vst v3;
	v3 =	vmul.f32 $5.000000000e-01, v4;
	v4 =	vpop (erf)  }
0x33: {  	v5 =	vmul.f32 $1.442695020e+00, v5;
	v6 =	vmul.f32 $5.000000000e-01, v4;
	v8 =	vpop (erf)  }
0x34: {  	v4 =	vmul.f32 $1.442695020e+00, v2;
	[tilespmem:s4+$0x0] =	vst v3;
	v2 =	vmul.f32 $5.000000000e-01, v8  }
0x35: {  	s6 =	sadd.s32 $0x50, s6;
	v3 =	vmul.f32 $1.442695020e+00, v7;
	(erf) = vpow2.f32 v5;
	[tilespmem:s4+$0xFFFFFFE0] =	vst v6  }
0x36: {  	_ = 	snop  }
0x37: {  	v1 =	vmul.f32 $1.442695020e+00, v1  }
0x38: {  	(erf) = vpow2.f32 v4;
	v0 =	vmul.f32 $1.442695020e+00, v0  }
0x39: {  	(erf) = vpow2.f32 v3  }
0x3a: {  	(erf) = vpow2.f32 v1  }
0x3b: {  	v1 =	vpop (erf);
	(erf) = vpow2.f32 v0  }
0x3c: {  	v0 =	vpop (erf);
	v1 =	vmul.f32 $5.000000000e-01, v1  }
0x3d: {  	[tilespmem:s4+$0x10] =	vst v2;
	s29 =	sadd.s32 $0x50, s4;
	v3 =	vpop (erf);
	v0 =	vmul.f32 $5.000000000e-01, v0  }
0x3e: {  	[tilespmem:s29+$0x20] =	vst v1;
	v1 =	vmul.f32 $5.000000000e-01, v3;
	v2 =	vpop (erf)  }
0x3f: {  	[tilespmem:s29+$0xFFFFFFF0] =	vst v0;
	v0 =	vmul.f32 $5.000000000e-01, v2;
	v2 =	vpop (erf)  }
0x40: {  	[tilespmem:s29+$0x0] =	vst v1;
	v1 =	vmul.f32 $5.000000000e-01, v2;
	v2 =	vpop (erf)  }
0x41: {  	[tilespmem:s29+$0xFFFFFFE0] =	vst v0;
	v0 =	vmul.f32 $5.000000000e-01, v2;
	v2 =	vpop (erf)  }
0x42: {  	s4 =	sadd.s32 $0x50, s29;
	[tilespmem:s29+$0x10] =	vst v1;
	v1 =	vmul.f32 $5.000000000e-01, v2;
	v2 =	vpop (erf)  }
0x43: {  	[tilespmem:s4+$0x20] =	vst v0;
	v0 =	vmul.f32 $5.000000000e-01, v2;
	v2 =	vpop (erf)  }
0x44: {  	[tilespmem:s4+$0xFFFFFFF0] =	vst v1;
	v1 =	vmul.f32 $5.000000000e-01, v2;
	v2 =	vpop (erf)  }
0x45: {  	[tilespmem:s4+$0x0] =	vst v0;
	v0 =	vmul.f32 $5.000000000e-01, v2  }
0x46: {  	[tilespmem:s4+$0xFFFFFFE0] =	vst v1  }
0x47: {  	s30 =	simm.s32 $0x2;
	[tilespmem:s4+$0x10] =	vst v0  }
0x48: {  	_ =	swait.ge [sflag:s30], $0x4E20  }
0x49: {  	[sflag:s30] =	ssyncset.done $0x0  }
0x4a: {  	[sflag:s30] =	ssyncadd.s32 $0xFFFFB1E0  }
0x4b: {  	_ =	swait.ge [sflag:s30], $0x4E20  }
0x4c: {  	[sflag:s30] =	ssyncset.done $0x0  }
0x4d: {  	[sflag:s30] =	ssyncadd.s32 $0xFFFFB1E0  }
0x4e: {  	_ =	swait.ge [sflag:s30], $0x4E20  }
0x4f: {  	[sflag:s30] =	ssyncset.done $0x0  }
0x50: {  	[sflag:s30] =	ssyncadd.s32 $0xFFFFB1E0  }
0x51: {  	_ =	swait.ge [sflag:s30], $0x4E20  }
0x52: {  	[sflag:s30] =	ssyncset.done $0x0  }
0x53: {  	s5 =	simm.s32 $0x4F20;
	[sflag:s30] =	ssyncadd.s32 $0xFFFFB1E0  }
0x54: {  	s6 =	simm.s32 $0x9DA0;
	v0 =	vld [tilespmem:s5+$0x20]  }
0x55: {  	v1 =	vld [tilespmem:s6+$0x20]  }
0x56: {  	v2 =	vld [tilespmem:s6+$0xFFFFFFE0]  }
0x57: {  	v3 =	vld [tilespmem:s5+$0xFFFFFFF0]  }
0x58: {  	v4 =	vld [tilespmem:s6+$0xFFFFFFF0]  }
0x59: {  	v5 =	vld [tilespmem:s5+$0x0]  }
0x5a: {  	s7 =	simm.s32 $0x13AA0;
	v6 =	vld [tilespmem:s6+$0x0]  }
0x5b: {  	s8 =	simm.s32 $0xEC20;
	v7 =	vld [tilespmem:s7+$0x20]  }
0x5c: {  	v8 =	vld [tilespmem:s8+$0x20]  }
0x5d: {  	v9 =	vld [tilespmem:s5+$0x10]  }
0x5e: {  	v10 =	vld [tilespmem:s6+$0x10]  }
0x5f: {  	v11 =	vld [tilespmem:s5+$0xFFFFFFE0]  }
0x60: {  	v12 =	vld [tilespmem:s7+$0xFFFFFFE0]  }
0x61: {  	v13 =	vld [tilespmem:s8+$0xFFFFFFE0]  }
0x62: {  	v14 =	vld [tilespmem:s7+$0xFFFFFFF0]  }
0x63: {  	v15 =	vld [tilespmem:s8+$0xFFFFFFF0]  }
0x64: {  	v16 =	vld [tilespmem:s7+$0x0]  }
0x65: {  	v17 =	vld [tilespmem:s8+$0x0]  }
0x66: {  	v18 =	vld [tilespmem:s7+$0x10]  }
0x67: {  	s31 =	simm.s32 $0x4F70;
	v19 =	vld [tilespmem:s8+$0x10]  }
0x68: {  	v20 =	vld [tilespmem:s31+$0x20]  }
0x69: {  	s5 =	simm.s32 $0x9DF0;
	v23 =	vld [tilespmem:s31+$0xFFFFFFF0]  }
0x6a: {  	v21 =	vld [tilespmem:s5+$0x20]  }
0x6b: {  	v22 =	vld [tilespmem:s5+$0xFFFFFFE0]  }
0x6c: {  	s7 =	simm.s32 $0xEC70;
	v24 =	vld [tilespmem:s5+$0xFFFFFFF0]  }
0x6d: {  	s4 =	simm.s32 $0x2780;
	v58 =	vld [tilespmem:s7+$0x20]  }
0x6e: {  	v0 =	vld.idx.msk [tilespmem:v0+s4+$0x0], $0xffff  }
0x6f: {  	s6 =	simm.s32 $0x13AF0;
	v1 =	vld.idx.msk [tilespmem:v1+s4+$0x0], $0xffff  }
0x70: {  	v60 =	vld [tilespmem:s6+$0xFFFFFFE0]  }
0x71: {  	v2 =	vld.idx.msk [tilespmem:v2+s4+$0x0], $0xffff  }
0x72: {  	v3 =	vld.idx.msk [tilespmem:v3+s4+$0x0], $0xffff  }
0x73: {  	v4 =	vld.idx.msk [tilespmem:v4+s4+$0x0], $0xffff  }
0x74: {  	v11 =	vld.idx.msk [tilespmem:v11+s4+$0x0], $0xffff;
	v0 =	vadd.f32 v1, v0;
	v1 =	vsub.f32 v7, v8  }
0x75: {  	v5 =	vld.idx.msk [tilespmem:v5+s4+$0x0], $0xffff  }
0x76: {  	v6 =	vld.idx.msk [tilespmem:v6+s4+$0x0], $0xffff;
	v0 =	vmul.f32 v1, v0  }
0x77: {  	v61 =	vld [tilespmem:s7+$0xFFFFFFE0]  }
0x78: {  	v9 =	vld.idx.msk [tilespmem:v9+s4+$0x0], $0xffff;
	v0 =	vmul.f32 $1.442695020e+00, v0  }
0x79: {  	v10 =	vld.idx.msk [tilespmem:v10+s4+$0x0], $0xffff;
	v2 =	vadd.f32 v2, v11;
	v11 =	vsub.f32 v12, v13  }
0x7a: {  	v20 =	vld.idx.msk [tilespmem:v20+s4+$0x0], $0xffff;
	(erf) = vpow2.f32 v0;
	v0 =	vadd.f32 v4, v3;
	v3 =	vsub.f32 v14, v15  }
0x7b: {  	v5 =	vadd.f32 v6, v5;
	v6 =	vsub.f32 v16, v17;
	v1 =	vld [tilespmem:s6+$0x20];
	v2 =	vmul.f32 v11, v2  }
0x7c: {  	v21 =	vld.idx.msk [tilespmem:v21+s4+$0x0], $0xffff;
	v0 =	vmul.f32 v3, v0  }
0x7d: {  	v8 =	vld [tilespmem:s5+$0x0];
	v5 =	vmul.f32 v6, v5;
	v2 =	vmul.f32 $1.442695020e+00, v2  }
0x7e: {  	v9 =	vadd.f32 v10, v9;
	v10 =	vld [tilespmem:s31+$0xFFFFFFE0];
	v0 =	vmul.f32 $1.442695020e+00, v0  }
0x7f: {  	v7 =	vld [tilespmem:s31+$0x0];
	(erf) = vpow2.f32 v2;
	v2 =	vmul.f32 $1.442695020e+00, v5;
	v3 =	vsub.f32 v18, v19  }
0x80: {  	v11 =	vld [tilespmem:s5+$0x10];
	v1 =	vsub.f32 v1, v58;
	(erf) = vpow2.f32 v0  }
0x81: {  	v59 =	vld.idx.msk [tilespmem:v22+s4+$0x0], $0xffff;
	v3 =	vmul.f32 v3, v9;
	(erf) = vpow2.f32 v2;
	v2 =	vadd.f32 v21, v20  }
0x82: {  	v4 =	vld [tilespmem:s31+$0x10]  }
0x83: {  	v6 =	vld.idx.msk [tilespmem:v23+s4+$0x0], $0xffff;
	v0 =	vmul.f32 $1.442695020e+00, v3;
	v1 =	vmul.f32 v1, v2  }
0x84: {  	v5 =	vld.idx.msk [tilespmem:v24+s4+$0x0], $0xffff  }
0x85: {  	v8 =	vld.idx.msk [tilespmem:v8+s4+$0x0], $0xffff;
	(erf) = vpow2.f32 v0;
	v63 =	vmul.f32 $1.442695020e+00, v1  }
0x86: {  	v10 =	vld.idx.msk [tilespmem:v10+s4+$0x0], $0xffff  }
0x87: {  	v9 =	vld.idx.msk [tilespmem:v7+s4+$0x0], $0xffff;
	v3 =	vpop (erf);
	(erf) = vpow2.f32 v63  }
0x88: {  	v11 =	vld.idx.msk [tilespmem:v11+s4+$0x0], $0xffff  }
0x89: {  	v7 =	vld [tilespmem:s7+$0xFFFFFFF0]  }
0x8a: {  	s8 =	simm.s32 $0x18920;
	v0 =	vld.idx.msk [tilespmem:v4+s4+$0x0], $0xffff  }
0x8b: {  	v4 =	vld [tilespmem:s6+$0xFFFFFFF0];
	[tilespmem:s8+$0x20] =	vst v3;
	v3 =	vpop (erf)  }
0x8c: {  	[tilespmem:s8+$0xFFFFFFE0] =	vst v3;
	v3 =	vld [tilespmem:s6+$0x0];
	v2 =	vpop (erf)  }
0x8d: {  	v1 =	vadd.f32 v8, v9;
	[tilespmem:s8+$0xFFFFFFF0] =	vst v2;
	v62 =	vpop (erf);
	v2 =	vadd.f32 v5, v6;
	v6 =	vld [tilespmem:s7+$0x0]  }
0x8e: {  	v9 =	vadd.f32 v59, v10;
	v10 =	vsub.f32 v60, v61;
	v5 =	vld [tilespmem:s6+$0x10];
	[tilespmem:s8+$0x0] =	vst v62;
	v8 =	vpop (erf)  }
0x8f: {  	s9 =	simm.s32 $0x5;
	s10 =	simm.s32 $0x4FC0;
	v0 =	vadd.f32 v11, v0;
	[tilespmem:s8+$0x10] =	vst v8;
	v8 =	vld [tilespmem:s7+$0x10]  }
.LBB2_3:
0x90: {  	v11 =	vld [tilespmem:s10+$0x20];
	v9 =	vmul.f32 v10, v9;
	v4 =	vsub.f32 v4, v7;
	s5 =	sadd.s32 $0x50, s5;
	v7 =	vpop (erf);
	s8 =	sadd.s32 $0x50, s8  }
0x91: {  	s9 =	sadd.s32 $0x5, s9;
	v10 =	vld [tilespmem:s5+$0x20];
	[tilespmem:s8+$0x20] =	vst v7  }
0x92: {  	p0 =	slt.u32 s9, $0x4DD;
	v7 =	vld [tilespmem:s5+$0xFFFFFFE0];
	v9 =	vmul.f32 $1.442695020e+00, v9;
	v2 =	vmul.f32 v4, v2;
	v3 =	vsub.f32 v3, v6  }
0x93: {  	v4 =	vld [tilespmem:s10+$0xFFFFFFF0]  }
0x94: {  	v6 =	vld [tilespmem:s5+$0xFFFFFFF0];
	v2 =	vmul.f32 $1.442695020e+00, v2;
	v1 =	vmul.f32 v3, v1;
	v3 =	vsub.f32 v5, v8  }
0x95: {  	v5 =	vld [tilespmem:s10+$0x0];
	(erf) = vpow2.f32 v9  }
0x96: {  	s6 =	sadd.s32 $0x50, s6;
	v8 =	vld [tilespmem:s5+$0x0];
	v1 =	vmul.f32 $1.442695020e+00, v1;
	v0 =	vmul.f32 v3, v0  }
0x97: {  	v3 =	vld [tilespmem:s6+$0x20];
	(erf) = vpow2.f32 v2  }
0x98: {  	v2 =	vld.idx.msk [tilespmem:v11+s4+$0x0], $0xffff;
	v0 =	vmul.f32 $1.442695020e+00, v0;
	(erf) = vpow2.f32 v1  }
0x99: {  	s7 =	sadd.s32 $0x50, s7;
	v1 =	vld.idx.msk [tilespmem:v10+s4+$0x0], $0xffff  }
0x9a: {  	v9 =	vld [tilespmem:s7+$0x20];
	(erf) = vpow2.f32 v0  }
0x9b: {  	v0 =	vld [tilespmem:s10+$0x10]  }
0x9c: {  	v10 =	vld [tilespmem:s5+$0x10]  }
0x9d: {  	v11 =	vld [tilespmem:s10+$0xFFFFFFE0]  }
0x9e: {  	v12 =	vld.idx.msk [tilespmem:v7+s4+$0x0], $0xffff;
	v7 =	vpop (erf)  }
0x9f: {  	v1 =	vadd.f32 v1, v2;
	v4 =	vld.idx.msk [tilespmem:v4+s4+$0x0], $0xffff;
	v9 =	vsub.f32 v3, v9;
	[tilespmem:s8+$0xFFFFFFE0] =	vst v7  }
0xa0: {  	v3 =	vld.idx.msk [tilespmem:v6+s4+$0x0], $0xffff;
	v6 =	vpop (erf)  }
0xa1: {  	v5 =	vld.idx.msk [tilespmem:v5+s4+$0x0], $0xffff;
	v1 =	vmul.f32 v9, v1;
	[tilespmem:s8+$0xFFFFFFF0] =	vst v6;
	v2 =	vpop (erf)  }
0xa2: {  	v6 =	vld.idx.msk [tilespmem:v8+s4+$0x0], $0xffff;
	[tilespmem:s8+$0x0] =	vst v2  }
0xa3: {  	v0 =	vld.idx.msk [tilespmem:v0+s4+$0x0], $0xffff;
	v1 =	vmul.f32 $1.442695020e+00, v1;
	v2 =	vpop (erf)  }
0xa4: {  	v8 =	vld.idx.msk [tilespmem:v10+s4+$0x0], $0xffff;
	[tilespmem:s8+$0x10] =	vst v2  }
0xa5: {  	v9 =	vld.idx.msk [tilespmem:v11+s4+$0x0], $0xffff;
	(erf) = vpow2.f32 v1  }
0xa6: {  	v2 =	vadd.f32 v3, v4;
	v10 =	vld [tilespmem:s6+$0xFFFFFFE0]  }
0xa7: {  	v11 =	vld [tilespmem:s7+$0xFFFFFFE0]  }
0xa8: {  	v1 =	vadd.f32 v6, v5;
	v4 =	vld [tilespmem:s6+$0xFFFFFFF0]  }
.Ltmp1:
0xa9: {  	v7 =	vld [tilespmem:s7+$0xFFFFFFF0];
	(pc) =	sbr.rel @p0 .LBB2_3-.Ltmp1, $4  }
0xaa: {  	v0 =	vadd.f32 v8, v0;
	v3 =	vld [tilespmem:s6+$0x0]  }
0xab: {  	v9 =	vadd.f32 v12, v9;
	v6 =	vld [tilespmem:s7+$0x0]  }
0xac: {  	v10 =	vsub.f32 v10, v11;
	v5 =	vld [tilespmem:s6+$0x10]  }
0xad: {  	s10 =	sadd.s32 $0x50, s10;
	v8 =	vld [tilespmem:s7+$0x10]  }
0xae: {  	_ =	sdelay $0x1  }
0xaf: {  	v4 =	vsub.f32 v4, v7  }
0xb0: {  	v56 =	vmul.f32 v10, v9;
	v3 =	vsub.f32 v3, v6  }
0xb1: {  	v2 =	vmul.f32 v4, v2;
	v57 =	vsub.f32 v5, v8  }
0xb2: {  	v58 =	vmul.f32 $1.442695020e+00, v56;
	v1 =	vmul.f32 v3, v1  }
0xb3: {  	v2 =	vmul.f32 $1.442695020e+00, v2;
	v0 =	vmul.f32 v57, v0  }
0xb4: {  	(erf) = vpow2.f32 v58;
	v1 =	vmul.f32 $1.442695020e+00, v1  }
0xb5: {  	(erf) = vpow2.f32 v2;
	v0 =	vmul.f32 $1.442695020e+00, v0  }
0xb6: {  	(erf) = vpow2.f32 v1  }
0xb7: {  	(erf) = vpow2.f32 v0;
	_ =	sdelay $0x4  }
0xb8: {  	v59 =	vpop (erf);
	s4 =	sadd.s32 $0x50, s8  }
0xb9: {  	[tilespmem:s4+$0x20] =	vst v59;
	v60 =	vpop (erf)  }
0xba: {  	[tilespmem:s4+$0xFFFFFFE0] =	vst v60;
	v61 =	vpop (erf)  }
0xbb: {  	[tilespmem:s4+$0xFFFFFFF0] =	vst v61;
	v62 =	vpop (erf)  }
0xbc: {  	s2 =	sadd.s32 s2, s3;
	[tilespmem:s4+$0x0] =	vst v62;
	v63 =	vpop (erf)  }
0xbd: {  	s29 =	simm.s32 $0x0;
	s30 =	simm.s32 $0x18900;
	s31 =	simm.s32 $0x3;
	[tilespmem:s4+$0x10] =	vst v63  }
0xbe: {  	[hbm4b:s2+s29] =	stream.linear.scatter [tilespmem:s30], [sflag:$0x3], $0x4E20, $0x38;
	[tilespmem:$0x1D780] =	vst v63  }
0xbf: {  	_ =	swait.ge [sflag:s31], $0x4E20  }
0xc0: {  	[sflag:s31] =	ssyncset.done $0x0  }
0xc1: {  	[sflag:s31] =	ssyncadd.s32 $0xFFFFB1E0  }
0xc2: {  	_ =	sfence.sel $0x180000  }
0xc3: {  	[bflag:$0x0] =	sbarrier.arrive $0xFFFF  }
0xc4: {  	p0 =	sne.s32 s1, $0x0;
	_ =	strace $0x90000047  }
0xc5: {  	s0 =	sadd.s32 @!p0 $0x100000, s0;
	[bflag:$0x2] =	sbarrier.arrive $0xFFFF  }
0xc6: {  	[sflag:s0] =	ssyncadd.tile.s32 @!p0 $0x1;
	_ =	shalt  }
.Lfunc_end2:
_tile_overlayer_lowered:
.L_overlay_start_2:
0xc7: {  	(tag) =	ssettag $0x2  }
0xc8: {  	s0 =	rddreg [dreg:$0x0];
	s2 =	stileid.u32  }
0xc9: {  	s1 =	rddreg [dreg:$0x1];
	p0 =	sne.s32 s2, $0x0  }
0xca: {  	s3 =	rddreg [dreg:$0x2];
	[bflag:$0x3] =	sbarrier.arrive $0xFFFF;
	s2 =	simm.s32 @!p0 $0x1C03  }
0xcb: {  	[timem:s3], [sflag:s2] =	dma.local @!p0 [hbm:s0], s1  }
0xcc: {  	s0 =	simm.s32 @!p0 $0x3  }
0xcd: {  	_ =	swait.ge @!p0 [sflag:s0], s1  }
0xce: {  	s1 =	ssub.s32 @!p0 $0x0, s1;
	[sflag:s0] =	ssyncset.done @!p0 $0x0  }
0xcf: {  	[sflag:s0] =	ssyncadd.s32 @!p0 s1  }
0xd0: {  	[bflag:$0x3] =	sbarrier.arrive $0xFFFF  }
0xd1: {  	_ =	shalt  }

</sc_bundles>
